<compile_context>
chip_gen: v7x
topology: tpu7x:2x2x1
jax: 0.10.2.dev20260603
libtpu: 0.0.44.dev20260713+nightly
codegen_flags: <defaults>
</compile_context>

<pallas_src>
import functools

import jax
import jax.numpy as jnp
from jax import lax
from jax.experimental import pallas as pl
from jax.experimental.pallas import tpu as pltpu
from jax.experimental.pallas import tpu_sc as plsc

BATCH = 16384
EMBED_DIM = 64
HIDDEN_DIM = 256
VOCAB = 1000000
XROWS = 1000448

NUM_CORES = 2
NUM_SUBCORES = 16
NUM_WORKERS = NUM_CORES * NUM_SUBCORES
B_PER_W = BATCH // NUM_WORKERS
LANES = 16
CHUNK = 128
N_CHUNKS = B_PER_W // CHUNK

MLP_TILE = 1024


def _gather_body(xu, xv, uid, iid, u_out, i_out,
                 uids_ref, iids_ref, rows_ref, sem):
    wid = lax.axis_index("s") * NUM_CORES + lax.axis_index("c")
    base = pl.multiple_of(wid * B_PER_W, B_PER_W)
    pltpu.sync_copy(uid.at[pl.ds(base, B_PER_W)], uids_ref)
    pltpu.sync_copy(iid.at[pl.ds(base, B_PER_W)], iids_ref)
    for table, q_ref, out in ((xu, uids_ref, u_out), (xv, iids_ref, i_out)):
        copies = []
        for k in range(N_CHUNKS):
            copies.append(pltpu.async_copy(
                table.at[q_ref.at[pl.ds(k * CHUNK, CHUNK)]],
                rows_ref.at[pl.ds(k * CHUNK, CHUNK)], sem))
        for c in copies:
            c.wait()
        pltpu.sync_copy(rows_ref, out.at[pl.ds(base, B_PER_W)])


def _sc_gather(xu, xv, user_id, item_id):
    emb = jax.ShapeDtypeStruct((BATCH, 2 * EMBED_DIM), jnp.float32)
    fn = functools.partial(
        pl.kernel,
        mesh=plsc.VectorSubcoreMesh(core_axis_name="c", subcore_axis_name="s"),
        out_type=(emb, emb),
        scratch_types=[
            pltpu.VMEM((B_PER_W,), jnp.int32),
            pltpu.VMEM((B_PER_W,), jnp.int32),
            pltpu.VMEM((B_PER_W, 2 * EMBED_DIM), jnp.float32),
            pltpu.SemaphoreType.DMA,
        ],
    )(_gather_body)
    return fn(xu, xv, user_id, item_id)


def _mlp_body(xu_ref, xi_ref, xf_ref, w1u_ref, w1i_ref,
              w1f_ref, b1_ref, w2_ref, b2_ref, o_ref):
    h = jnp.dot(xu_ref[...], w1u_ref[...], preferred_element_type=jnp.float32)
    h = h + jnp.dot(xi_ref[...], w1i_ref[...], preferred_element_type=jnp.float32)
    h = h + jnp.dot(xf_ref[...], w1f_ref[...],
                    preferred_element_type=jnp.float32)
    h = jnp.maximum(h + b1_ref[...], 0.0)
    y = jnp.dot(h, w2_ref[...], preferred_element_type=jnp.float32) + b2_ref[...]
    o_ref[...] = jax.nn.sigmoid(y)


def _tc_mlp(xu, xi, xf, W1, b1, W2, b2):
    zpad = jnp.zeros((EMBED_DIM, HIDDEN_DIM), jnp.float32)
    w1u = jnp.concatenate([W1[:EMBED_DIM], zpad], axis=0)
    w1i = jnp.concatenate([W1[EMBED_DIM:2 * EMBED_DIM], zpad], axis=0)
    w1f = W1[2 * EMBED_DIM:]
    b1_2d = b1.reshape(1, HIDDEN_DIM)
    b2_2d = b2.reshape(1, 1)
    grid = BATCH // MLP_TILE
    out = pl.pallas_call(
        _mlp_body,
        grid=(grid,),
        in_specs=[
            pl.BlockSpec((MLP_TILE, 2 * EMBED_DIM), lambda t: (t, 0)),
            pl.BlockSpec((MLP_TILE, 2 * EMBED_DIM), lambda t: (t, 0)),
            pl.BlockSpec((MLP_TILE, 2), lambda t: (t, 0)),
            pl.BlockSpec((2 * EMBED_DIM, HIDDEN_DIM), lambda t: (0, 0)),
            pl.BlockSpec((2 * EMBED_DIM, HIDDEN_DIM), lambda t: (0, 0)),
            pl.BlockSpec((2, HIDDEN_DIM), lambda t: (0, 0)),
            pl.BlockSpec((1, HIDDEN_DIM), lambda t: (0, 0)),
            pl.BlockSpec((HIDDEN_DIM, 1), lambda t: (0, 0)),
            pl.BlockSpec((1, 1), lambda t: (0, 0)),
        ],
        out_specs=pl.BlockSpec((MLP_TILE, 1), lambda t: (t, 0)),
        out_shape=jax.ShapeDtypeStruct((BATCH, 1), jnp.float32),
    )(xu, xi, xf, w1u, w1i, w1f, b1_2d, W2, b2_2d)
    return out[:, 0]


REPACK_BLK = 1024


def _repack_body(in1_ref, o_ref):
    left = jnp.transpose(in1_ref[...], (1, 0))
    o_ref[...] = jnp.concatenate(
        [left, jnp.zeros((REPACK_BLK, EMBED_DIM), jnp.float32)], axis=1)


def _repack(table_t):
    grid = XROWS // REPACK_BLK
    return pl.pallas_call(
        _repack_body,
        grid=(grid,),
        in_specs=[pl.BlockSpec((EMBED_DIM, REPACK_BLK), lambda g: (0, g))],
        out_specs=pl.BlockSpec((REPACK_BLK, 2 * EMBED_DIM), lambda g: (g, 0)),
        out_shape=jax.ShapeDtypeStruct((XROWS, 2 * EMBED_DIM), jnp.float32),
    )(table_t)


def kernel(user_id, item_id, user_feature, item_feature, user_table,
           item_table, W1, b1, W2, b2):
    xu_t = _repack(user_table.T)
    xv_t = _repack(item_table.T)
    xu, xi = _sc_gather(xu_t, xv_t, user_id, item_id)
    xf = jnp.stack([user_feature, item_feature], axis=1)
    return _tc_mlp(xu, xi, xf, W1, b1, W2, b2)

# --- scband reference (transcript-rebuilt; emitter-appended) ---
"""Pipeline reference for scband-recommendation-model-3693671874929 (READ-ONLY COPY).

The authoritative reference and input builder live on the scoring server;
editing this copy changes nothing except your own understanding.
"""

import jax, jax.numpy as jnp
import numpy as np

NUM_USERS = 1000000
NUM_ITEMS = 1000000
EMBED_DIM = 64
HIDDEN_DIM = 256
BATCH = 16384


def setup_inputs(seed: int = 0) -> dict:
    key = jax.random.key(seed)
    ks = jax.random.split(key, 10)
    user_id = jax.random.randint(ks[0], (BATCH,), 0, NUM_USERS, dtype=jnp.int64 if jax.config.jax_enable_x64 else jnp.int32).astype(jnp.int32)
    item_id = jax.random.randint(ks[1], (BATCH,), 0, NUM_ITEMS, dtype=jnp.int64 if jax.config.jax_enable_x64 else jnp.int32).astype(jnp.int32)
    user_feature = jax.random.normal(ks[2], (BATCH,), dtype=jnp.float32)
    item_feature = jax.random.normal(ks[3], (BATCH,), dtype=jnp.float32)
    user_table = jax.random.normal(ks[4], (NUM_USERS, EMBED_DIM), dtype=jnp.float32) * 0.02
    item_table = jax.random.normal(ks[5], (NUM_ITEMS, EMBED_DIM), dtype=jnp.float32) * 0.02
    W1 = jax.random.normal(ks[6], (EMBED_DIM * 2 + 2, HIDDEN_DIM), dtype=jnp.float32) * 0.02
    b1 = jnp.zeros((HIDDEN_DIM,), dtype=jnp.float32)
    W2 = jax.random.normal(ks[7], (HIDDEN_DIM, 1), dtype=jnp.float32) * 0.02
    b2 = jnp.zeros((1,), dtype=jnp.float32)
    return {
        "user_id": user_id,
        "item_id": item_id,
        "user_feature": user_feature,
        "item_feature": item_feature,
        "user_table": user_table,
        "item_table": item_table,
        "W1": W1,
        "b1": b1,
        "W2": W2,
        "b2": b2,
    }


def reference(user_id, item_id, user_feature, item_feature, user_table, item_table, W1, b1, W2, b2):
    # Embedding lookups (gather) - maps to SparseCore
    user_emb = jnp.take(user_table, user_id, axis=0)
    item_emb = jnp.take(item_table, item_id, axis=0)
    x = jnp.concatenate([user_emb, item_emb, user_feature[:, None], item_feature[:, None]], axis=1)
    x = jax.nn.relu(x @ W1 + b1)
    # dropout is identity at inference (eval mode)
    x = x @ W2 + b2
    return jax.nn.sigmoid(x).squeeze(-1)

if __name__ == "__main__":
    import jax
    _d = setup_inputs()
    print(jax.jit(kernel)(*tuple(_d.values())))

</pallas_src>

<mosaic_0001>
#map = affine_map<(d0, d1) -> (0, 0)>
#map1 = affine_map<(d0, d1) -> (0)>
module attributes {stable_mosaic.version = 14 : i64} {
  func.func @_gather_body(%arg0: i32, %arg1: i32, %arg2: memref<1000448x128xf32, #tpu.memory_space<hbm>>, %arg3: memref<1000448x128xf32, #tpu.memory_space<hbm>>, %arg4: memref<16384xi32, #tpu.memory_space<hbm>>, %arg5: memref<16384xi32, #tpu.memory_space<hbm>>, %arg6: memref<16384x128xf32, #tpu.memory_space<hbm>>, %arg7: memref<16384x128xf32, #tpu.memory_space<hbm>>, %arg8: memref<512xi32, #tpu.memory_space<vmem>>, %arg9: memref<512xi32, #tpu.memory_space<vmem>>, %arg10: memref<512x128xf32, #tpu.memory_space<vmem>>, %arg11: memref<!tpu.dma_semaphore, #tpu.memory_space<semaphore_mem>>) attributes {dimension_semantics = [#tpu.dimension_semantics<core_parallel>, #tpu.dimension_semantics<subcore_parallel>], iteration_bounds = array<i64: 2, 16>, scalar_prefetch = 0 : i64, scratch_operands = 4 : i64, tpu.core_type = #tpu.core_type<sc_vector_subcore>, window_params = [{transform_indices = #map}, {transform_indices = #map}, {transform_indices = #map1}, {transform_indices = #map1}, {transform_indices = #map}, {transform_indices = #map}]} {
    %mul3A = arith.constant 2 : i32
    %mul3A_0 = arith.muli %arg1, %mul3A : i32
    %add3A = arith.addi %mul3A_0, %arg0 : i32
    %mul3A_1 = arith.constant 512 : i32
    %mul3A_2 = arith.muli %add3A, %mul3A_1 : i32
    %multiple_of3A = tpu.assume_multiple %mul3A_2, 512 : i32
    "tpu.region"() ({
      %run_scoped3A = tpu.sem_alloc : memref<!tpu.dma_semaphore, #tpu.memory_space<semaphore_mem>>
      %dma_start3A_129 = tpu.memref_slice %arg4[%multiple_of3A] : memref<16384xi32, #tpu.memory_space<hbm>> -> memref<512xi32, #tpu.memory_space<hbm>>
      %dma_start3A_130 = tpu.memref_slice %arg4[%multiple_of3A] : memref<16384xi32, #tpu.memory_space<hbm>> -> memref<512xi32, #tpu.memory_space<hbm>>
      tpu.enqueue_dma source(%dma_start3A_130 : memref<512xi32, #tpu.memory_space<hbm>>) target(%arg8 : memref<512xi32, #tpu.memory_space<vmem>>) target_semaphore(%run_scoped3A : memref<!tpu.dma_semaphore, #tpu.memory_space<semaphore_mem>>)
      %dma_wait3A_131 = tpu.memref_slice %arg4[%multiple_of3A] : memref<16384xi32, #tpu.memory_space<hbm>> -> memref<512xi32, #tpu.memory_space<hbm>>
      %dma_wait3A_132 = tpu.memref_slice %arg4[%multiple_of3A] : memref<16384xi32, #tpu.memory_space<hbm>> -> memref<512xi32, #tpu.memory_space<hbm>>
      tpu.wait_dma2 semaphore(%run_scoped3A : memref<!tpu.dma_semaphore, #tpu.memory_space<semaphore_mem>>) src(%dma_wait3A_132 : memref<512xi32, #tpu.memory_space<hbm>>) dst(%arg8 : memref<512xi32, #tpu.memory_space<vmem>>)
      tpu.yield
    }) : () -> ()
    "tpu.region"() ({
      %run_scoped3A = tpu.sem_alloc : memref<!tpu.dma_semaphore, #tpu.memory_space<semaphore_mem>>
      %dma_start3A_129 = tpu.memref_slice %arg5[%multiple_of3A] : memref<16384xi32, #tpu.memory_space<hbm>> -> memref<512xi32, #tpu.memory_space<hbm>>
      %dma_start3A_130 = tpu.memref_slice %arg5[%multiple_of3A] : memref<16384xi32, #tpu.memory_space<hbm>> -> memref<512xi32, #tpu.memory_space<hbm>>
      tpu.enqueue_dma source(%dma_start3A_130 : memref<512xi32, #tpu.memory_space<hbm>>) target(%arg9 : memref<512xi32, #tpu.memory_space<vmem>>) target_semaphore(%run_scoped3A : memref<!tpu.dma_semaphore, #tpu.memory_space<semaphore_mem>>)
      %dma_wait3A_131 = tpu.memref_slice %arg5[%multiple_of3A] : memref<16384xi32, #tpu.memory_space<hbm>> -> memref<512xi32, #tpu.memory_space<hbm>>
      %dma_wait3A_132 = tpu.memref_slice %arg5[%multiple_of3A] : memref<16384xi32, #tpu.memory_space<hbm>> -> memref<512xi32, #tpu.memory_space<hbm>>
      tpu.wait_dma2 semaphore(%run_scoped3A : memref<!tpu.dma_semaphore, #tpu.memory_space<semaphore_mem>>) src(%dma_wait3A_132 : memref<512xi32, #tpu.memory_space<hbm>>) dst(%arg9 : memref<512xi32, #tpu.memory_space<vmem>>)
      tpu.yield
    }) : () -> ()
    %dma_start3A = arith.constant 0 : i32
    %dma_start3A_3 = arith.constant 0 : i32
    %dma_start3A_4 = tpu.memref_slice %arg10[%dma_start3A, %dma_start3A_3] : memref<512x128xf32, #tpu.memory_space<vmem>> -> memref<128x128xf32, #tpu.memory_space<vmem>>
    %dma_start3A_5 = arith.constant 0 : i32
    %dma_start3A_6 = tpu.memref_slice %arg8[%dma_start3A_5] : memref<512xi32, #tpu.memory_space<vmem>> -> memref<128xi32, #tpu.memory_space<vmem>>
    %dma_start3A_7 = arith.constant 0 : i32
    %dma_start3A_8 = arith.constant 0 : i32
    %dma_start3A_9 = tpu.memref_slice %arg2[%dma_start3A_7, %dma_start3A_8] : memref<1000448x128xf32, #tpu.memory_space<hbm>> -> memref<1000448x128xf32, #tpu.memory_space<hbm>>
    tpu.enqueue_indirect_dma source(%dma_start3A_9 : memref<1000448x128xf32, #tpu.memory_space<hbm>>) target(%dma_start3A_4 : memref<128x128xf32, #tpu.memory_space<vmem>>) offsets(%dma_start3A_6 : memref<128xi32, #tpu.memory_space<vmem>>) semaphore(%arg11 : memref<!tpu.dma_semaphore, #tpu.memory_space<semaphore_mem>>)
    %dma_start3A_10 = arith.constant 128 : i32
    %dma_start3A_11 = arith.constant 0 : i32
    %dma_start3A_12 = tpu.memref_slice %arg10[%dma_start3A_10, %dma_start3A_11] : memref<512x128xf32, #tpu.memory_space<vmem>> -> memref<128x128xf32, #tpu.memory_space<vmem>>
    %dma_start3A_13 = arith.constant 128 : i32
    %dma_start3A_14 = tpu.memref_slice %arg8[%dma_start3A_13] : memref<512xi32, #tpu.memory_space<vmem>> -> memref<128xi32, #tpu.memory_space<vmem>>
    %dma_start3A_15 = arith.constant 0 : i32
    %dma_start3A_16 = arith.constant 0 : i32
    %dma_start3A_17 = tpu.memref_slice %arg2[%dma_start3A_15, %dma_start3A_16] : memref<1000448x128xf32, #tpu.memory_space<hbm>> -> memref<1000448x128xf32, #tpu.memory_space<hbm>>
    tpu.enqueue_indirect_dma source(%dma_start3A_17 : memref<1000448x128xf32, #tpu.memory_space<hbm>>) target(%dma_start3A_12 : memref<128x128xf32, #tpu.memory_space<vmem>>) offsets(%dma_start3A_14 : memref<128xi32, #tpu.memory_space<vmem>>) semaphore(%arg11 : memref<!tpu.dma_semaphore, #tpu.memory_space<semaphore_mem>>)
    %dma_start3A_18 = arith.constant 256 : i32
    %dma_start3A_19 = arith.constant 0 : i32
    %dma_start3A_20 = tpu.memref_slice %arg10[%dma_start3A_18, %dma_start3A_19] : memref<512x128xf32, #tpu.memory_space<vmem>> -> memref<128x128xf32, #tpu.memory_space<vmem>>
    %dma_start3A_21 = arith.constant 256 : i32
    %dma_start3A_22 = tpu.memref_slice %arg8[%dma_start3A_21] : memref<512xi32, #tpu.memory_space<vmem>> -> memref<128xi32, #tpu.memory_space<vmem>>
    %dma_start3A_23 = arith.constant 0 : i32
    %dma_start3A_24 = arith.constant 0 : i32
    %dma_start3A_25 = tpu.memref_slice %arg2[%dma_start3A_23, %dma_start3A_24] : memref<1000448x128xf32, #tpu.memory_space<hbm>> -> memref<1000448x128xf32, #tpu.memory_space<hbm>>
    tpu.enqueue_indirect_dma source(%dma_start3A_25 : memref<1000448x128xf32, #tpu.memory_space<hbm>>) target(%dma_start3A_20 : memref<128x128xf32, #tpu.memory_space<vmem>>) offsets(%dma_start3A_22 : memref<128xi32, #tpu.memory_space<vmem>>) semaphore(%arg11 : memref<!tpu.dma_semaphore, #tpu.memory_space<semaphore_mem>>)
    %dma_start3A_26 = arith.constant 384 : i32
    %dma_start3A_27 = arith.constant 0 : i32
    %dma_start3A_28 = tpu.memref_slice %arg10[%dma_start3A_26, %dma_start3A_27] : memref<512x128xf32, #tpu.memory_space<vmem>> -> memref<128x128xf32, #tpu.memory_space<vmem>>
    %dma_start3A_29 = arith.constant 384 : i32
    %dma_start3A_30 = tpu.memref_slice %arg8[%dma_start3A_29] : memref<512xi32, #tpu.memory_space<vmem>> -> memref<128xi32, #tpu.memory_space<vmem>>
    %dma_start3A_31 = arith.constant 0 : i32
    %dma_start3A_32 = arith.constant 0 : i32
    %dma_start3A_33 = tpu.memref_slice %arg2[%dma_start3A_31, %dma_start3A_32] : memref<1000448x128xf32, #tpu.memory_space<hbm>> -> memref<1000448x128xf32, #tpu.memory_space<hbm>>
    tpu.enqueue_indirect_dma source(%dma_start3A_33 : memref<1000448x128xf32, #tpu.memory_space<hbm>>) target(%dma_start3A_28 : memref<128x128xf32, #tpu.memory_space<vmem>>) offsets(%dma_start3A_30 : memref<128xi32, #tpu.memory_space<vmem>>) semaphore(%arg11 : memref<!tpu.dma_semaphore, #tpu.memory_space<semaphore_mem>>)
    %dma_wait3A = arith.constant 0 : i32
    %dma_wait3A_34 = arith.constant 0 : i32
    %dma_wait3A_35 = tpu.memref_slice %arg10[%dma_wait3A, %dma_wait3A_34] : memref<512x128xf32, #tpu.memory_space<vmem>> -> memref<128x128xf32, #tpu.memory_space<vmem>>
    %dma_wait3A_36 = arith.constant 0 : i32
    %dma_wait3A_37 = tpu.memref_slice %arg8[%dma_wait3A_36] : memref<512xi32, #tpu.memory_space<vmem>> -> memref<128xi32, #tpu.memory_space<vmem>>
    %dma_wait3A_38 = arith.constant 0 : i32
    %dma_wait3A_39 = arith.constant 0 : i32
    %dma_wait3A_40 = tpu.memref_slice %arg2[%dma_wait3A_38, %dma_wait3A_39] : memref<1000448x128xf32, #tpu.memory_space<hbm>> -> memref<1000448x128xf32, #tpu.memory_space<hbm>>
    tpu.wait_indirect_dma semaphore(%arg11 : memref<!tpu.dma_semaphore, #tpu.memory_space<semaphore_mem>>) src(%dma_wait3A_40 : memref<1000448x128xf32, #tpu.memory_space<hbm>>) dst(%dma_wait3A_35 : memref<128x128xf32, #tpu.memory_space<vmem>>)
    %dma_wait3A_41 = arith.constant 128 : i32
    %dma_wait3A_42 = arith.constant 0 : i32
    %dma_wait3A_43 = tpu.memref_slice %arg10[%dma_wait3A_41, %dma_wait3A_42] : memref<512x128xf32, #tpu.memory_space<vmem>> -> memref<128x128xf32, #tpu.memory_space<vmem>>
    %dma_wait3A_44 = arith.constant 128 : i32
    %dma_wait3A_45 = tpu.memref_slice %arg8[%dma_wait3A_44] : memref<512xi32, #tpu.memory_space<vmem>> -> memref<128xi32, #tpu.memory_space<vmem>>
    %dma_wait3A_46 = arith.constant 0 : i32
    %dma_wait3A_47 = arith.constant 0 : i32
    %dma_wait3A_48 = tpu.memref_slice %arg2[%dma_wait3A_46, %dma_wait3A_47] : memref<1000448x128xf32, #tpu.memory_space<hbm>> -> memref<1000448x128xf32, #tpu.memory_space<hbm>>
    tpu.wait_indirect_dma semaphore(%arg11 : memref<!tpu.dma_semaphore, #tpu.memory_space<semaphore_mem>>) src(%dma_wait3A_48 : memref<1000448x128xf32, #tpu.memory_space<hbm>>) dst(%dma_wait3A_43 : memref<128x128xf32, #tpu.memory_space<vmem>>)
    %dma_wait3A_49 = arith.constant 256 : i32
    %dma_wait3A_50 = arith.constant 0 : i32
    %dma_wait3A_51 = tpu.memref_slice %arg10[%dma_wait3A_49, %dma_wait3A_50] : memref<512x128xf32, #tpu.memory_space<vmem>> -> memref<128x128xf32, #tpu.memory_space<vmem>>
    %dma_wait3A_52 = arith.constant 256 : i32
    %dma_wait3A_53 = tpu.memref_slice %arg8[%dma_wait3A_52] : memref<512xi32, #tpu.memory_space<vmem>> -> memref<128xi32, #tpu.memory_space<vmem>>
    %dma_wait3A_54 = arith.constant 0 : i32
    %dma_wait3A_55 = arith.constant 0 : i32
    %dma_wait3A_56 = tpu.memref_slice %arg2[%dma_wait3A_54, %dma_wait3A_55] : memref<1000448x128xf32, #tpu.memory_space<hbm>> -> memref<1000448x128xf32, #tpu.memory_space<hbm>>
    tpu.wait_indirect_dma semaphore(%arg11 : memref<!tpu.dma_semaphore, #tpu.memory_space<semaphore_mem>>) src(%dma_wait3A_56 : memref<1000448x128xf32, #tpu.memory_space<hbm>>) dst(%dma_wait3A_51 : memref<128x128xf32, #tpu.memory_space<vmem>>)
    %dma_wait3A_57 = arith.constant 384 : i32
    %dma_wait3A_58 = arith.constant 0 : i32
    %dma_wait3A_59 = tpu.memref_slice %arg10[%dma_wait3A_57, %dma_wait3A_58] : memref<512x128xf32, #tpu.memory_space<vmem>> -> memref<128x128xf32, #tpu.memory_space<vmem>>
    %dma_wait3A_60 = arith.constant 384 : i32
    %dma_wait3A_61 = tpu.memref_slice %arg8[%dma_wait3A_60] : memref<512xi32, #tpu.memory_space<vmem>> -> memref<128xi32, #tpu.memory_space<vmem>>
    %dma_wait3A_62 = arith.constant 0 : i32
    %dma_wait3A_63 = arith.constant 0 : i32
    %dma_wait3A_64 = tpu.memref_slice %arg2[%dma_wait3A_62, %dma_wait3A_63] : memref<1000448x128xf32, #tpu.memory_space<hbm>> -> memref<1000448x128xf32, #tpu.memory_space<hbm>>
    tpu.wait_indirect_dma semaphore(%arg11 : memref<!tpu.dma_semaphore, #tpu.memory_space<semaphore_mem>>) src(%dma_wait3A_64 : memref<1000448x128xf32, #tpu.memory_space<hbm>>) dst(%dma_wait3A_59 : memref<128x128xf32, #tpu.memory_space<vmem>>)
    "tpu.region"() ({
      %run_scoped3A = tpu.sem_alloc : memref<!tpu.dma_semaphore, #tpu.memory_space<semaphore_mem>>
      %dma_start3A_129 = arith.constant 0 : i32
      %dma_start3A_130 = tpu.memref_slice %arg6[%multiple_of3A, %dma_start3A_129] : memref<16384x128xf32, #tpu.memory_space<hbm>> -> memref<512x128xf32, #tpu.memory_space<hbm>>
      %dma_start3A_131 = arith.constant 0 : i32
      %dma_start3A_132 = tpu.memref_slice %arg6[%multiple_of3A, %dma_start3A_131] : memref<16384x128xf32, #tpu.memory_space<hbm>> -> memref<512x128xf32, #tpu.memory_space<hbm>>
      tpu.enqueue_dma source(%arg10 : memref<512x128xf32, #tpu.memory_space<vmem>>) target(%dma_start3A_132 : memref<512x128xf32, #tpu.memory_space<hbm>>) target_semaphore(%run_scoped3A : memref<!tpu.dma_semaphore, #tpu.memory_space<semaphore_mem>>)
      %dma_wait3A_133 = arith.constant 0 : i32
      %dma_wait3A_134 = tpu.memref_slice %arg6[%multiple_of3A, %dma_wait3A_133] : memref<16384x128xf32, #tpu.memory_space<hbm>> -> memref<512x128xf32, #tpu.memory_space<hbm>>
      %dma_wait3A_135 = arith.constant 0 : i32
      %dma_wait3A_136 = tpu.memref_slice %arg6[%multiple_of3A, %dma_wait3A_135] : memref<16384x128xf32, #tpu.memory_space<hbm>> -> memref<512x128xf32, #tpu.memory_space<hbm>>
      tpu.wait_dma2 semaphore(%run_scoped3A : memref<!tpu.dma_semaphore, #tpu.memory_space<semaphore_mem>>) src(%arg10 : memref<512x128xf32, #tpu.memory_space<vmem>>) dst(%dma_wait3A_136 : memref<512x128xf32, #tpu.memory_space<hbm>>)
      tpu.yield
    }) : () -> ()
    %dma_start3A_65 = arith.constant 0 : i32
    %dma_start3A_66 = arith.constant 0 : i32
    %dma_start3A_67 = tpu.memref_slice %arg10[%dma_start3A_65, %dma_start3A_66] : memref<512x128xf32, #tpu.memory_space<vmem>> -> memref<128x128xf32, #tpu.memory_space<vmem>>
    %dma_start3A_68 = arith.constant 0 : i32
    %dma_start3A_69 = tpu.memref_slice %arg9[%dma_start3A_68] : memref<512xi32, #tpu.memory_space<vmem>> -> memref<128xi32, #tpu.memory_space<vmem>>
    %dma_start3A_70 = arith.constant 0 : i32
    %dma_start3A_71 = arith.constant 0 : i32
    %dma_start3A_72 = tpu.memref_slice %arg3[%dma_start3A_70, %dma_start3A_71] : memref<1000448x128xf32, #tpu.memory_space<hbm>> -> memref<1000448x128xf32, #tpu.memory_space<hbm>>
    tpu.enqueue_indirect_dma source(%dma_start3A_72 : memref<1000448x128xf32, #tpu.memory_space<hbm>>) target(%dma_start3A_67 : memref<128x128xf32, #tpu.memory_space<vmem>>) offsets(%dma_start3A_69 : memref<128xi32, #tpu.memory_space<vmem>>) semaphore(%arg11 : memref<!tpu.dma_semaphore, #tpu.memory_space<semaphore_mem>>)
    %dma_start3A_73 = arith.constant 128 : i32
    %dma_start3A_74 = arith.constant 0 : i32
    %dma_start3A_75 = tpu.memref_slice %arg10[%dma_start3A_73, %dma_start3A_74] : memref<512x128xf32, #tpu.memory_space<vmem>> -> memref<128x128xf32, #tpu.memory_space<vmem>>
    %dma_start3A_76 = arith.constant 128 : i32
    %dma_start3A_77 = tpu.memref_slice %arg9[%dma_start3A_76] : memref<512xi32, #tpu.memory_space<vmem>> -> memref<128xi32, #tpu.memory_space<vmem>>
    %dma_start3A_78 = arith.constant 0 : i32
    %dma_start3A_79 = arith.constant 0 : i32
    %dma_start3A_80 = tpu.memref_slice %arg3[%dma_start3A_78, %dma_start3A_79] : memref<1000448x128xf32, #tpu.memory_space<hbm>> -> memref<1000448x128xf32, #tpu.memory_space<hbm>>
    tpu.enqueue_indirect_dma source(%dma_start3A_80 : memref<1000448x128xf32, #tpu.memory_space<hbm>>) target(%dma_start3A_75 : memref<128x128xf32, #tpu.memory_space<vmem>>) offsets(%dma_start3A_77 : memref<128xi32, #tpu.memory_space<vmem>>) semaphore(%arg11 : memref<!tpu.dma_semaphore, #tpu.memory_space<semaphore_mem>>)
    %dma_start3A_81 = arith.constant 256 : i32
    %dma_start3A_82 = arith.constant 0 : i32
    %dma_start3A_83 = tpu.memref_slice %arg10[%dma_start3A_81, %dma_start3A_82] : memref<512x128xf32, #tpu.memory_space<vmem>> -> memref<128x128xf32, #tpu.memory_space<vmem>>
    %dma_start3A_84 = arith.constant 256 : i32
    %dma_start3A_85 = tpu.memref_slice %arg9[%dma_start3A_84] : memref<512xi32, #tpu.memory_space<vmem>> -> memref<128xi32, #tpu.memory_space<vmem>>
    %dma_start3A_86 = arith.constant 0 : i32
    %dma_start3A_87 = arith.constant 0 : i32
    %dma_start3A_88 = tpu.memref_slice %arg3[%dma_start3A_86, %dma_start3A_87] : memref<1000448x128xf32, #tpu.memory_space<hbm>> -> memref<1000448x128xf32, #tpu.memory_space<hbm>>
    tpu.enqueue_indirect_dma source(%dma_start3A_88 : memref<1000448x128xf32, #tpu.memory_space<hbm>>) target(%dma_start3A_83 : memref<128x128xf32, #tpu.memory_space<vmem>>) offsets(%dma_start3A_85 : memref<128xi32, #tpu.memory_space<vmem>>) semaphore(%arg11 : memref<!tpu.dma_semaphore, #tpu.memory_space<semaphore_mem>>)
    %dma_start3A_89 = arith.constant 384 : i32
    %dma_start3A_90 = arith.constant 0 : i32
    %dma_start3A_91 = tpu.memref_slice %arg10[%dma_start3A_89, %dma_start3A_90] : memref<512x128xf32, #tpu.memory_space<vmem>> -> memref<128x128xf32, #tpu.memory_space<vmem>>
    %dma_start3A_92 = arith.constant 384 : i32
    %dma_start3A_93 = tpu.memref_slice %arg9[%dma_start3A_92] : memref<512xi32, #tpu.memory_space<vmem>> -> memref<128xi32, #tpu.memory_space<vmem>>
    %dma_start3A_94 = arith.constant 0 : i32
    %dma_start3A_95 = arith.constant 0 : i32
    %dma_start3A_96 = tpu.memref_slice %arg3[%dma_start3A_94, %dma_start3A_95] : memref<1000448x128xf32, #tpu.memory_space<hbm>> -> memref<1000448x128xf32, #tpu.memory_space<hbm>>
    tpu.enqueue_indirect_dma source(%dma_start3A_96 : memref<1000448x128xf32, #tpu.memory_space<hbm>>) target(%dma_start3A_91 : memref<128x128xf32, #tpu.memory_space<vmem>>) offsets(%dma_start3A_93 : memref<128xi32, #tpu.memory_space<vmem>>) semaphore(%arg11 : memref<!tpu.dma_semaphore, #tpu.memory_space<semaphore_mem>>)
    %dma_wait3A_97 = arith.constant 0 : i32
    %dma_wait3A_98 = arith.constant 0 : i32
    %dma_wait3A_99 = tpu.memref_slice %arg10[%dma_wait3A_97, %dma_wait3A_98] : memref<512x128xf32, #tpu.memory_space<vmem>> -> memref<128x128xf32, #tpu.memory_space<vmem>>
    %dma_wait3A_100 = arith.constant 0 : i32
    %dma_wait3A_101 = tpu.memref_slice %arg9[%dma_wait3A_100] : memref<512xi32, #tpu.memory_space<vmem>> -> memref<128xi32, #tpu.memory_space<vmem>>
    %dma_wait3A_102 = arith.constant 0 : i32
    %dma_wait3A_103 = arith.constant 0 : i32
    %dma_wait3A_104 = tpu.memref_slice %arg3[%dma_wait3A_102, %dma_wait3A_103] : memref<1000448x128xf32, #tpu.memory_space<hbm>> -> memref<1000448x128xf32, #tpu.memory_space<hbm>>
    tpu.wait_indirect_dma semaphore(%arg11 : memref<!tpu.dma_semaphore, #tpu.memory_space<semaphore_mem>>) src(%dma_wait3A_104 : memref<1000448x128xf32, #tpu.memory_space<hbm>>) dst(%dma_wait3A_99 : memref<128x128xf32, #tpu.memory_space<vmem>>)
    %dma_wait3A_105 = arith.constant 128 : i32
    %dma_wait3A_106 = arith.constant 0 : i32
    %dma_wait3A_107 = tpu.memref_slice %arg10[%dma_wait3A_105, %dma_wait3A_106] : memref<512x128xf32, #tpu.memory_space<vmem>> -> memref<128x128xf32, #tpu.memory_space<vmem>>
    %dma_wait3A_108 = arith.constant 128 : i32
    %dma_wait3A_109 = tpu.memref_slice %arg9[%dma_wait3A_108] : memref<512xi32, #tpu.memory_space<vmem>> -> memref<128xi32, #tpu.memory_space<vmem>>
    %dma_wait3A_110 = arith.constant 0 : i32
    %dma_wait3A_111 = arith.constant 0 : i32
    %dma_wait3A_112 = tpu.memref_slice %arg3[%dma_wait3A_110, %dma_wait3A_111] : memref<1000448x128xf32, #tpu.memory_space<hbm>> -> memref<1000448x128xf32, #tpu.memory_space<hbm>>
    tpu.wait_indirect_dma semaphore(%arg11 : memref<!tpu.dma_semaphore, #tpu.memory_space<semaphore_mem>>) src(%dma_wait3A_112 : memref<1000448x128xf32, #tpu.memory_space<hbm>>) dst(%dma_wait3A_107 : memref<128x128xf32, #tpu.memory_space<vmem>>)
    %dma_wait3A_113 = arith.constant 256 : i32
    %dma_wait3A_114 = arith.constant 0 : i32
    %dma_wait3A_115 = tpu.memref_slice %arg10[%dma_wait3A_113, %dma_wait3A_114] : memref<512x128xf32, #tpu.memory_space<vmem>> -> memref<128x128xf32, #tpu.memory_space<vmem>>
    %dma_wait3A_116 = arith.constant 256 : i32
    %dma_wait3A_117 = tpu.memref_slice %arg9[%dma_wait3A_116] : memref<512xi32, #tpu.memory_space<vmem>> -> memref<128xi32, #tpu.memory_space<vmem>>
    %dma_wait3A_118 = arith.constant 0 : i32
    %dma_wait3A_119 = arith.constant 0 : i32
    %dma_wait3A_120 = tpu.memref_slice %arg3[%dma_wait3A_118, %dma_wait3A_119] : memref<1000448x128xf32, #tpu.memory_space<hbm>> -> memref<1000448x128xf32, #tpu.memory_space<hbm>>
    tpu.wait_indirect_dma semaphore(%arg11 : memref<!tpu.dma_semaphore, #tpu.memory_space<semaphore_mem>>) src(%dma_wait3A_120 : memref<1000448x128xf32, #tpu.memory_space<hbm>>) dst(%dma_wait3A_115 : memref<128x128xf32, #tpu.memory_space<vmem>>)
    %dma_wait3A_121 = arith.constant 384 : i32
    %dma_wait3A_122 = arith.constant 0 : i32
    %dma_wait3A_123 = tpu.memref_slice %arg10[%dma_wait3A_121, %dma_wait3A_122] : memref<512x128xf32, #tpu.memory_space<vmem>> -> memref<128x128xf32, #tpu.memory_space<vmem>>
    %dma_wait3A_124 = arith.constant 384 : i32
    %dma_wait3A_125 = tpu.memref_slice %arg9[%dma_wait3A_124] : memref<512xi32, #tpu.memory_space<vmem>> -> memref<128xi32, #tpu.memory_space<vmem>>
    %dma_wait3A_126 = arith.constant 0 : i32
    %dma_wait3A_127 = arith.constant 0 : i32
    %dma_wait3A_128 = tpu.memref_slice %arg3[%dma_wait3A_126, %dma_wait3A_127] : memref<1000448x128xf32, #tpu.memory_space<hbm>> -> memref<1000448x128xf32, #tpu.memory_space<hbm>>
    tpu.wait_indirect_dma semaphore(%arg11 : memref<!tpu.dma_semaphore, #tpu.memory_space<semaphore_mem>>) src(%dma_wait3A_128 : memref<1000448x128xf32, #tpu.memory_space<hbm>>) dst(%dma_wait3A_123 : memref<128x128xf32, #tpu.memory_space<vmem>>)
    "tpu.region"() ({
      %run_scoped3A = tpu.sem_alloc : memref<!tpu.dma_semaphore, #tpu.memory_space<semaphore_mem>>
      %dma_start3A_129 = arith.constant 0 : i32
      %dma_start3A_130 = tpu.memref_slice %arg7[%multiple_of3A, %dma_start3A_129] : memref<16384x128xf32, #tpu.memory_space<hbm>> -> memref<512x128xf32, #tpu.memory_space<hbm>>
      %dma_start3A_131 = arith.constant 0 : i32
      %dma_start3A_132 = tpu.memref_slice %arg7[%multiple_of3A, %dma_start3A_131] : memref<16384x128xf32, #tpu.memory_space<hbm>> -> memref<512x128xf32, #tpu.memory_space<hbm>>
      tpu.enqueue_dma source(%arg10 : memref<512x128xf32, #tpu.memory_space<vmem>>) target(%dma_start3A_132 : memref<512x128xf32, #tpu.memory_space<hbm>>) target_semaphore(%run_scoped3A : memref<!tpu.dma_semaphore, #tpu.memory_space<semaphore_mem>>)
      %dma_wait3A_133 = arith.constant 0 : i32
      %dma_wait3A_134 = tpu.memref_slice %arg7[%multiple_of3A, %dma_wait3A_133] : memref<16384x128xf32, #tpu.memory_space<hbm>> -> memref<512x128xf32, #tpu.memory_space<hbm>>
      %dma_wait3A_135 = arith.constant 0 : i32
      %dma_wait3A_136 = tpu.memref_slice %arg7[%multiple_of3A, %dma_wait3A_135] : memref<16384x128xf32, #tpu.memory_space<hbm>> -> memref<512x128xf32, #tpu.memory_space<hbm>>
      tpu.wait_dma2 semaphore(%run_scoped3A : memref<!tpu.dma_semaphore, #tpu.memory_space<semaphore_mem>>) src(%arg10 : memref<512x128xf32, #tpu.memory_space<vmem>>) dst(%dma_wait3A_136 : memref<512x128xf32, #tpu.memory_space<hbm>>)
      tpu.yield
    }) : () -> ()
    return
  }
}

module attributes {stable_mosaic.version = 14 : i64} {
  func.func @_repack_body(%arg0: i32, %arg1: memref<64x1024xf32, #tpu.memory_space<vmem>>, %arg2: memref<1024x128xf32, #tpu.memory_space<vmem>>) attributes {dimension_semantics = [#tpu.dimension_semantics<arbitrary>], iteration_bounds = array<i64: 977>, scalar_prefetch = 0 : i64, scratch_operands = 0 : i64, tpu.core_type = #tpu.core_type<tc>, window_params = [{transform_indices = @transform_0, window_bounds = array<i64: 64, 1024>}, {transform_indices = @transform_1, window_bounds = array<i64: 1024, 128>}]} {
    %get3A = arith.constant 0 : index
    %get3A_0 = arith.constant 0 : index
    %get3A_1 = vector.load %arg1[%get3A, %get3A_0] : memref<64x1024xf32, #tpu.memory_space<vmem>>, vector<64x1024xf32>
    %transpose3A = tpu.transpose %get3A_1, [1, 0] : vector<64x1024xf32> -> vector<1024x64xf32>
    %broadcast_in_dim3A = arith.constant 0.000000e+00 : f32
    %broadcast_in_dim3A_2 = vector.broadcast %broadcast_in_dim3A : f32 to vector<1024x64xf32>
    %concatenate3A = tpu.concatenate %transpose3A, %broadcast_in_dim3A_2 in 1 : vector<1024x64xf32>, vector<1024x64xf32> -> vector<1024x128xf32>
    %swap3A = arith.constant 0 : index
    %swap3A_3 = arith.constant 0 : index
    %swap3A_4 = vector.load %arg2[%swap3A, %swap3A_3] : memref<1024x128xf32, #tpu.memory_space<vmem>>, vector<1024x128xf32>
    tpu.vector_store %arg2[%swap3A, %swap3A_3], %concatenate3A {strides = array<i32>} : memref<1024x128xf32, #tpu.memory_space<vmem>>, vector<1024x128xf32>,
    return
  }
  func.func @transform_0(%arg0: i32) -> (i32, i32) {
    %c0_i32 = arith.constant 0 : i32
    %c0_i32_0 = arith.constant 0 : i32
    return %c0_i32, %arg0 : i32, i32
  }
  func.func @transform_1(%arg0: i32) -> (i32, i32) {
    %c0_i32 = arith.constant 0 : i32
    %c0_i32_0 = arith.constant 0 : i32
    return %arg0, %c0_i32 : i32, i32
  }
}

module attributes {stable_mosaic.version = 14 : i64} {
  func.func @_mlp_body(%arg0: i32, %arg1: memref<1024x128xf32, #tpu.memory_space<vmem>>, %arg2: memref<1024x128xf32, #tpu.memory_space<vmem>>, %arg3: memref<1024x2xf32, #tpu.memory_space<vmem>>, %arg4: memref<128x256xf32, #tpu.memory_space<vmem>>, %arg5: memref<128x256xf32, #tpu.memory_space<vmem>>, %arg6: memref<2x256xf32, #tpu.memory_space<vmem>>, %arg7: memref<1x256xf32, #tpu.memory_space<vmem>>, %arg8: memref<256x1xf32, #tpu.memory_space<vmem>>, %arg9: memref<1x1xf32, #tpu.memory_space<vmem>>, %arg10: memref<1024x1xf32, #tpu.memory_space<vmem>>) attributes {dimension_semantics = [#tpu.dimension_semantics<arbitrary>], iteration_bounds = array<i64: 16>, scalar_prefetch = 0 : i64, scratch_operands = 0 : i64, tpu.core_type = #tpu.core_type<tc>, window_params = [{transform_indices = @transform_0, window_bounds = array<i64: 1024, 128>}, {transform_indices = @transform_1, window_bounds = array<i64: 1024, 128>}, {transform_indices = @transform_2, window_bounds = array<i64: 1024, 2>}, {pipeline_mode = #tpu.pipeline_mode<synchronous>, transform_indices = @transform_3, window_bounds = array<i64: 128, 256>}, {pipeline_mode = #tpu.pipeline_mode<synchronous>, transform_indices = @transform_4, window_bounds = array<i64: 128, 256>}, {pipeline_mode = #tpu.pipeline_mode<synchronous>, transform_indices = @transform_5, window_bounds = array<i64: 2, 256>}, {pipeline_mode = #tpu.pipeline_mode<synchronous>, transform_indices = @transform_6, window_bounds = array<i64: 1, 256>}, {pipeline_mode = #tpu.pipeline_mode<synchronous>, transform_indices = @transform_7, window_bounds = array<i64: 256, 1>}, {pipeline_mode = #tpu.pipeline_mode<synchronous>, transform_indices = @transform_8, window_bounds = array<i64: 1, 1>}, {transform_indices = @transform_9, window_bounds = array<i64: 1024, 1>}]} {
    %get3A = arith.constant 0 : index
    %get3A_0 = arith.constant 0 : index
    %get3A_1 = vector.load %arg1[%get3A, %get3A_0] : memref<1024x128xf32, #tpu.memory_space<vmem>>, vector<1024x128xf32>
    %get3A_2 = arith.constant 0 : index
    %get3A_3 = arith.constant 0 : index
    %get3A_4 = vector.load %arg4[%get3A_2, %get3A_3] : memref<128x256xf32, #tpu.memory_space<vmem>>, vector<128x256xf32>
    %dot_general3A = arith.constant dense<0.000000e+00> : vector<1024x256xf32>
    %dot_general3A_5 = tpu.matmul %get3A_1, %get3A_4, %dot_general3A {dimension_numbers = #tpu.dot_dimension_numbers<[1], [0], [0], [1], [0, 0, 1, 1], [], []>, transpose_lhs_hint = false} : vector<1024x128xf32>, vector<128x256xf32>, vector<1024x256xf32> -> vector<1024x256xf32>
    %get3A_6 = arith.constant 0 : index
    %get3A_7 = arith.constant 0 : index
    %get3A_8 = vector.load %arg2[%get3A_6, %get3A_7] : memref<1024x128xf32, #tpu.memory_space<vmem>>, vector<1024x128xf32>
    %get3A_9 = arith.constant 0 : index
    %get3A_10 = arith.constant 0 : index
    %get3A_11 = vector.load %arg5[%get3A_9, %get3A_10] : memref<128x256xf32, #tpu.memory_space<vmem>>, vector<128x256xf32>
    %dot_general3A_12 = arith.constant dense<0.000000e+00> : vector<1024x256xf32>
    %dot_general3A_13 = tpu.matmul %get3A_8, %get3A_11, %dot_general3A_12 {dimension_numbers = #tpu.dot_dimension_numbers<[1], [0], [0], [1], [0, 0, 1, 1], [], []>, transpose_lhs_hint = false} : vector<1024x128xf32>, vector<128x256xf32>, vector<1024x256xf32> -> vector<1024x256xf32>
    %add3A = arith.addf %dot_general3A_5, %dot_general3A_13 : vector<1024x256xf32>
    %get3A_14 = arith.constant 0 : index
    %get3A_15 = arith.constant 0 : index
    %get3A_16 = vector.load %arg3[%get3A_14, %get3A_15] : memref<1024x2xf32, #tpu.memory_space<vmem>>, vector<1024x2xf32>
    %get3A_17 = arith.constant 0 : index
    %get3A_18 = arith.constant 0 : index
    %get3A_19 = vector.load %arg6[%get3A_17, %get3A_18] : memref<2x256xf32, #tpu.memory_space<vmem>>, vector<2x256xf32>
    %dot_general3A_20 = arith.constant dense<0.000000e+00> : vector<1024x256xf32>
    %dot_general3A_21 = tpu.matmul %get3A_16, %get3A_19, %dot_general3A_20 {dimension_numbers = #tpu.dot_dimension_numbers<[1], [0], [0], [1], [0, 0, 1, 1], [], []>, transpose_lhs_hint = false} : vector<1024x2xf32>, vector<2x256xf32>, vector<1024x256xf32> -> vector<1024x256xf32>
    %add3A_22 = arith.addf %add3A, %dot_general3A_21 : vector<1024x256xf32>
    %get3A_23 = arith.constant 0 : index
    %get3A_24 = arith.constant 0 : index
    %get3A_25 = vector.load %arg7[%get3A_23, %get3A_24] : memref<1x256xf32, #tpu.memory_space<vmem>>, vector<1x256xf32>
    %add3A_26 = vector.broadcast %get3A_25 : vector<1x256xf32> to vector<1024x256xf32>
    %add3A_27 = arith.addf %add3A_22, %add3A_26 : vector<1024x256xf32>
    %max3A = arith.constant 0.000000e+00 : f32
    %max3A_28 = vector.broadcast %max3A : f32 to vector<1024x256xf32>
    %max3A_29 = arith.maximumf %add3A_27, %max3A_28 : vector<1024x256xf32>
    %get3A_30 = arith.constant 0 : index
    %get3A_31 = arith.constant 0 : index
    %get3A_32 = vector.load %arg8[%get3A_30, %get3A_31] : memref<256x1xf32, #tpu.memory_space<vmem>>, vector<256x1xf32>
    %dot_general3A_33 = arith.constant dense<0.000000e+00> : vector<1024x1xf32>
    %dot_general3A_34 = tpu.matmul %max3A_29, %get3A_32, %dot_general3A_33 {dimension_numbers = #tpu.dot_dimension_numbers<[1], [0], [0], [1], [0, 0, 1, 1], [], []>, transpose_lhs_hint = false} : vector<1024x256xf32>, vector<256x1xf32>, vector<1024x1xf32> -> vector<1024x1xf32>
    %get3A_35 = arith.constant 0 : index
    %get3A_36 = arith.constant 0 : index
    %get3A_37 = vector.load %arg9[%get3A_35, %get3A_36] : memref<1x1xf32, #tpu.memory_space<vmem>>, vector<1x1xf32>
    %add3A_38 = vector.broadcast %get3A_37 : vector<1x1xf32> to vector<1024x1xf32>
    %add3A_39 = arith.addf %dot_general3A_34, %add3A_38 : vector<1024x1xf32>
    %logistic3A = arith.negf %add3A_39 : vector<1024x1xf32>
    %logistic3A_40 = math.exp %logistic3A : vector<1024x1xf32>
    %logistic3A_41 = arith.constant 1.000000e+00 : f32
    %logistic3A_42 = vector.broadcast %logistic3A_41 : f32 to vector<1024x1xf32>
    %logistic3A_43 = arith.addf %logistic3A_42, %logistic3A_40 : vector<1024x1xf32>
    %logistic3A_44 = arith.divf %logistic3A_42, %logistic3A_43 : vector<1024x1xf32>
    %swap3A = arith.constant 0 : index
    %swap3A_45 = arith.constant 0 : index
    %swap3A_46 = vector.load %arg10[%swap3A, %swap3A_45] : memref<1024x1xf32, #tpu.memory_space<vmem>>, vector<1024x1xf32>
    tpu.vector_store %arg10[%swap3A, %swap3A_45], %logistic3A_44 {strides = array<i32>} : memref<1024x1xf32, #tpu.memory_space<vmem>>, vector<1024x1xf32>,
    return
  }
  func.func @transform_0(%arg0: i32) -> (i32, i32) {
    %c0_i32 = arith.constant 0 : i32
    %c0_i32_0 = arith.constant 0 : i32
    return %arg0, %c0_i32 : i32, i32
  }
  func.func @transform_1(%arg0: i32) -> (i32, i32) {
    %c0_i32 = arith.constant 0 : i32
    %c0_i32_0 = arith.constant 0 : i32
    return %arg0, %c0_i32 : i32, i32
  }
  func.func @transform_2(%arg0: i32) -> (i32, i32) {
    %c0_i32 = arith.constant 0 : i32
    %c0_i32_0 = arith.constant 0 : i32
    return %arg0, %c0_i32 : i32, i32
  }
  func.func @transform_3(%arg0: i32) -> (i32, i32) {
    %c0_i32 = arith.constant 0 : i32
    %c0_i32_0 = arith.constant 0 : i32
    %c0_i32_1 = arith.constant 0 : i32
    return %c0_i32, %c0_i32_0 : i32, i32
  }
  func.func @transform_4(%arg0: i32) -> (i32, i32) {
    %c0_i32 = arith.constant 0 : i32
    %c0_i32_0 = arith.constant 0 : i32
    %c0_i32_1 = arith.constant 0 : i32
    return %c0_i32, %c0_i32_0 : i32, i32
  }
  func.func @transform_5(%arg0: i32) -> (i32, i32) {
    %c0_i32 = arith.constant 0 : i32
    %c0_i32_0 = arith.constant 0 : i32
    %c0_i32_1 = arith.constant 0 : i32
    return %c0_i32, %c0_i32_0 : i32, i32
  }
  func.func @transform_6(%arg0: i32) -> (i32, i32) {
    %c0_i32 = arith.constant 0 : i32
    %c0_i32_0 = arith.constant 0 : i32
    %c0_i32_1 = arith.constant 0 : i32
    return %c0_i32, %c0_i32_0 : i32, i32
  }
  func.func @transform_7(%arg0: i32) -> (i32, i32) {
    %c0_i32 = arith.constant 0 : i32
    %c0_i32_0 = arith.constant 0 : i32
    %c0_i32_1 = arith.constant 0 : i32
    return %c0_i32, %c0_i32_0 : i32, i32
  }
  func.func @transform_8(%arg0: i32) -> (i32, i32) {
    %c0_i32 = arith.constant 0 : i32
    %c0_i32_0 = arith.constant 0 : i32
    %c0_i32_1 = arith.constant 0 : i32
    return %c0_i32, %c0_i32_0 : i32, i32
  }
  func.func @transform_9(%arg0: i32) -> (i32, i32) {
    %c0_i32 = arith.constant 0 : i32
    %c0_i32_0 = arith.constant 0 : i32
    return %arg0, %c0_i32 : i32, i32
  }
}

</mosaic_0001>

<sc_bundles>
// kernel: kernel.6.cloned.1.call-start
scs
__scs_entry_jumppad:
0x0: {  	(pc) =	sbr.rel $0x88, $3  }
0x1: {  	(tag) =	ssettag $0x0;
	lr =	simm.s32 $0x1  }
0x2: {  	[smem:$0x3F97] =	sst lr;
	_ =	strace $0xD0000000  }
0x3: {  	_ = 	snop  }
0x4: {  	_ = 	snop  }
0x5: {  	_ = 	snop  }
0x6: {  	_ = 	snop  }
0x7: {  	_ = 	snop  }
__scs_overlays_trampoline_lowered:
0x8: {  	[smem:$0x3FA6] =	sst s0  }
0x9: {  	[smem:$0x3FA7] =	sst s1  }
0xa: {  	[smem:$0x3FA8] =	sst s2  }
0xb: {  	[smem:$0x3FA9] =	sst s3  }
0xc: {  	[smem:$0x3FAA] =	sst s4  }
0xd: {  	[smem:$0x3FAB] =	sst s5  }
0xe: {  	[smem:$0x3FAC] =	sst s6  }
0xf: {  	[smem:$0x3FAD] =	sst s7  }
0x10: {  	[smem:$0x3FAE] =	sst s8  }
0x11: {  	[smem:$0x3FAF] =	sst s9;
	s0 =	simm.s32 @!p0 $0x0  }
0x12: {  	s1 =	sld [smem:$0x3F95];
	s0 =	simm.s32 @p0 $0x1  }
0x13: {  	[smem:$0x3FB0] =	sst s0;
	s0 =	simm.s32 @!p1 $0x0  }
0x14: {  	s2 =	sld [smem:$0x3F94];
	s0 =	simm.s32 @p1 $0x1  }
0x15: {  	[smem:$0x3FB1] =	sst s0;
	s0 =	simm.s32 @!p2 $0x0  }
0x16: {  	s3 =	sld [smem:$0x3FDB];
	s0 =	simm.s32 @p2 $0x1  }
0x17: {  	s4 =	simm.s32 $0x1BF5;
	[smem:$0x3FB3] =	sst s0  }
0x18: {  	s0 =	sld [smem:$0x3F96];
	_ =	swait.ge [sflag:s4], $0x0  }
0x19: {  	s7 =	sld [smem:$0x3F97]  }
0x1a: {  	s8 =	sadd.s32 $0xFFFFE003, lr  }
0x1b: {  	s9 =	sadd.s32 $0xFFFFFEF7, lr;
	s5 =	simm.s32 $0xFFFFFFFF;
	p2 =	slt.u32 s8, $0xFFFFF086  }
0x1c: {  	p1 =	slt.u32 s9, $0xF7A;
	s5 =	simm.s32 @!p2 $0x0  }
0x1d: {  	s5 =	simm.s32 @p1 $0x1;
	p0 =	seq.s32 s7, s2  }
0x1e: {  	s7 =	smul.u32 @!p0 $0xF7A, s2;
	p2 =	seq.s32 @!p0 s5, $0x0  }
0x1f: {  	s9 =	smul.u32 $0xF7A, s1;
	s8 =	simm.s32 @!p0 $0x1BF5;
	p2 =	por !p2, p0  }
0x20: {  	[sflag:s8] =	ssyncset.s32 @!p0 $0xFFFFF086;
	s6 =	sadd.s32 @!p0 s3, s7;
	s7 =	simm.s32 @!p0 $0x108  }
0x21: {  	s3 =	sadd.s32 s3, s9;
	s6 =	sadd.s32 @!p0 $0x88, s6;
	s7 =	simm.s32 @p2 $0x1082  }
0x22: {  	[simem:s7], [sflag:s8] =	dma.local @!p0 [hbm:s6], $0xF7A  }
0x23: {  	s9 =	sor.u32 $0xD0000000, s2;
	s6 =	simm.s32 $0x108;
	_ =	swait.ge @!p0 [sflag:s8], $0x0  }
0x24: {  	s3 =	sadd.s32 $0x88, s3;
	s6 =	simm.s32 @!p1 $0x1082;
	[sflag:s4] =	ssyncset.s32 $0xFFFFF086  }
0x25: {  	[simem:s6], [sflag:s4] =	dma.local [hbm:s3], $0xF7A  }
0x26: {  	[smem:$0x3F97] =	sst s1;
	(tag) =	ssettag s2;
	_ =	strace s9  }
0x27: {  	s1 =	sld [smem:$0x3FA7]  }
0x28: {  	s2 =	sld [smem:$0x3FA8]  }
0x29: {  	s4 =	sld [smem:$0x3FAA]  }
0x2a: {  	p0 =	seq.s32 s5, $0x0;
	s5 =	sld [smem:$0x3FAB]  }
0x2b: {  	s6 =	sld [smem:$0x3FAC]  }
0x2c: {  	s7 =	sld [smem:$0x3FAD]  }
0x2d: {  	s3 =	simm.s32 $0x108;
	s8 =	sld [smem:$0x3FAE]  }
0x2e: {  	s3 =	simm.s32 @!p0 $0x1082;
	s9 =	sld [smem:$0x3FAF]  }
0x2f: {  	lr =	sadd.s32 s0, s3;
	s0 =	sld [smem:$0x3FA6]  }
0x30: {  	s3 =	sld [smem:$0x3FA9]  }
0x31: {  	[smem:$0x3FB2] =	sst s10  }
0x32: {  	s10 =	sld [smem:$0x3FB0];
	_ =	sdelay $0x3  }
0x33: {  	p0 =	seq.s32 s10, $0x1;
	s10 =	sld [smem:$0x3FB2];
	_ =	sdelay $0x3  }
0x34: {  	[smem:$0x3FB2] =	sst s10  }
0x35: {  	s10 =	sld [smem:$0x3FB1];
	_ =	sdelay $0x3  }
0x36: {  	p1 =	seq.s32 s10, $0x1;
	s10 =	sld [smem:$0x3FB2];
	_ =	sdelay $0x3  }
0x37: {  	[smem:$0x3FB2] =	sst s10  }
0x38: {  	s10 =	sld [smem:$0x3FB3]  }
0x39: {  	_ = 	snop;
	(pc) =	sbr.ind lr, $3  }
0x3a: {  	_ = 	snop  }
0x3b: {  	_ = 	snop  }
0x3c: {  	p2 =	seq.s32 s10, $0x1;
	s10 =	sld [smem:$0x3FB2]  }
0x3d: {  	_ =	shalt  }
0x3e: {  	_ =	shalt  }
0x3f: {  	_ =	shalt  }
0x40: {  	_ =	shalt  }
0x41: {  	_ =	shalt  }
0x42: {  	_ =	shalt  }
0x43: {  	_ =	shalt  }
0x44: {  	_ =	shalt  }
0x45: {  	_ =	shalt  }
0x46: {  	_ =	shalt  }
0x47: {  	_ =	shalt  }
0x48: {  	_ =	shalt  }
0x49: {  	_ =	shalt  }
0x4a: {  	_ =	shalt  }
0x4b: {  	_ =	shalt  }
0x4c: {  	_ =	shalt  }
0x4d: {  	_ =	shalt  }
0x4e: {  	_ =	shalt  }
0x4f: {  	_ =	shalt  }
0x50: {  	_ =	shalt  }
0x51: {  	_ =	shalt  }
0x52: {  	_ =	shalt  }
0x53: {  	_ =	shalt  }
0x54: {  	_ =	shalt  }
0x55: {  	_ =	shalt  }
0x56: {  	_ =	shalt  }
0x57: {  	_ =	shalt  }
0x58: {  	_ =	shalt  }
0x59: {  	_ =	shalt  }
0x5a: {  	_ =	shalt  }
0x5b: {  	_ =	shalt  }
0x5c: {  	_ =	shalt  }
0x5d: {  	_ =	shalt  }
0x5e: {  	_ =	shalt  }
0x5f: {  	_ =	shalt  }
0x60: {  	_ =	shalt  }
0x61: {  	_ =	shalt  }
0x62: {  	_ =	shalt  }
0x63: {  	_ =	shalt  }
0x64: {  	_ =	shalt  }
0x65: {  	_ =	shalt  }
0x66: {  	_ =	shalt  }
0x67: {  	_ =	shalt  }
0x68: {  	_ =	shalt  }
0x69: {  	_ =	shalt  }
0x6a: {  	_ =	shalt  }
0x6b: {  	_ =	shalt  }
0x6c: {  	_ =	shalt  }
0x6d: {  	_ =	shalt  }
0x6e: {  	_ =	shalt  }
0x6f: {  	_ =	shalt  }
0x70: {  	_ =	shalt  }
0x71: {  	_ =	shalt  }
0x72: {  	_ =	shalt  }
0x73: {  	_ =	shalt  }
0x74: {  	_ =	shalt  }
0x75: {  	_ =	shalt  }
0x76: {  	_ =	shalt  }
0x77: {  	_ =	shalt  }
0x78: {  	_ =	shalt  }
0x79: {  	_ =	shalt  }
0x7a: {  	_ =	shalt  }
0x7b: {  	_ =	shalt  }
0x7c: {  	_ =	shalt  }
0x7d: {  	_ =	shalt  }
0x7e: {  	_ =	shalt  }
0x7f: {  	_ =	shalt  }
0x80: {  	_ =	shalt  }
0x81: {  	_ =	shalt  }
0x82: {  	_ =	shalt  }
0x83: {  	_ =	shalt  }
0x84: {  	_ =	shalt  }
0x85: {  	_ =	shalt  }
0x86: {  	_ =	shalt  }
0x87: {  	_ =	shalt  }
.Lfunc_end0:
.L_simem_size_0:
called_computation_lowered:
.L_overlay_start_0:
0x88: {  	s2 =	sld [smem:$0x3FD9]  }
0x89: {  	s3 =	sld [smem:$0x3FFE];
	_ =	sdelay $0x1  }
0x8a: {  	s1 =	srdreg.scid  }
0x8b: {  	s0 =	sand.u32 $0x1, s1  }
0x8c: {  	s17 =	sshll.u32 s0, $0xA;
	s2 =	sadd.s32 s3, s2  }
0x8d: {  	s2 =	sadd.s32 s2, s17  }
0x8e: {  	[smem:$0x3FBE] =	sst s2  }
0x8f: {  	_ = 	snop  }
0x90: {  	s2 =	sld [smem:$0x3FC9]  }
0x91: {  	s18 =	sld [smem:$0x3FC8];
	(tm) =	ssettm $0x1  }
0x92: {  	s4 =	sld [smem:$0x3FFB];
	_ =	sdelay $0x3  }
0x93: {  	_ =	strace s4  }
0x94: {  	s4 =	sld [smem:$0x3FFC];
	_ =	sdelay $0x3  }
0x95: {  	_ =	strace s4  }
0x96: {  	s4 =	sld [smem:$0x3FFD];
	_ =	sdelay $0x3  }
0x97: {  	_ =	strace s4  }
0x98: {  	_ =	strace $0x8FFFFFFF  }
0x99: {  	s19 =	sld [smem:$0x3FDB];
	_ =	sdelay $0x1  }
0x9a: {  	s5 =	simm.s32 $_scs_section_size  }
0x9b: {  	s6 =	simm.s32 $_size__tile_overlayer_lowered;
	s7 =	simm.s32 $_tile_overlayer_lowered  }
0x9c: {  	s22 =	simm.s32 $0x1BFF;
	s21 =	sshll.u32 s7, $0x1;
	s4 =	sadd.s32 s5, s19  }
0x9d: {  	s8 =	simm.s32 $0x0;
	s20 =	sshll.u32 s6, $0x1;
	s6 =	sadd.s32 s21, s4  }
0x9e: {  	[timem:s8], [sflag:s22] =	dma.local [hbm:s6], s20  }
0x9f: {  	_ =	swait.ge [sflag:s22], s20  }
0xa0: {  	s5 =	ssub.s32 $0x0, s20;
	[sflag:s22] =	ssyncset.done $0x0  }
0xa1: {  	[sflag:s22] =	ssyncadd.s32 s5;
	_ =	sdelay $0x1  }
0xa2: {  	s23 =	simm.s32 $0x1B8B  }
0xa3: {  	_ =	swait.ge [sflag:s23], $0x1  }
0xa4: {  	[sflag:s23] =	ssyncset.done $0x0  }
0xa5: {  	s25 =	simm.s32 $0x1B8E;
	s24 =	sld [smem:$0x3FFE];
	[sflag:s23] =	ssyncadd.s32 $0xFFFFFFFF  }
0xa6: {  	s26 =	simm.s32 $execute0_lowered;
	[smem:$0x3FD2] =	sst s25  }
0xa7: {  	s6 =	sshll.u32 s26, $0x1;
	_ =	strace $0x80000046;
	[dreg:$0x1] =	wrdreg $0xFFFFFFFF  }
0xa8: {  	s28 =	simm.s32 $_size_execute0_lowered;
	s4 =	sadd.s32 s4, s6;
	[dreg:$0x0] =	wrdreg $0x0  }
0xa9: {  	s6 =	sshll.u32 s28, $0x1;
	[dreg:$0x2] =	wrdreg s4  }
0xaa: {  	[dreg:$0x3] =	wrdreg s6  }
0xab: {  	[dreg:$0x4] =	wrdreg $0xC0  }
0xac: {  	_ =	task [dreg:s8], $0x5FFFF  }
0xad: {  	[dreg:$0x1] =	wrdreg $0xFFFFFFFF  }
0xae: {  	[dreg:$0x0] =	wrdreg $0x60  }
0xaf: {  	[dreg:$0x2] =	wrdreg s24  }
0xb0: {  	[dreg:$0x3] =	wrdreg s2  }
0xb1: {  	[dreg:$0x4] =	wrdreg s18  }
0xb2: {  	[dreg:$0x5] =	wrdreg $0x9  }
0xb3: {  	_ =	task.clear_ibuf [dreg:s8], $0x6FFFF;
	_ =	strace $0x90000046  }
0xb4: {  	s29 =	simm.s32 $0x9;
	_ =	strace $0x80000048  }
0xb5: {  	_ =	swait.ge [sflag:s29], $0x1  }
0xb6: {  	[sflag:s29] =	ssyncadd.s32 $0xFFFFFFFF  }
0xb7: {  	_ =	strace $0x90000048  }
0xb8: {  	_ =	sfence  }
0xb9: {  	s30 =	sld [smem:$0x0];
	_ =	sdelay $0x2  }
0xba: {  	s31 =	sshll.u32 s1, $0xD;
	s1 =	sshrl.u32 s1, $0x2  }
0xbb: {  	s3 =	sand.u32 $0x4000, s31;
	s1 =	sadd.s32 s1, s30  }
0xbc: {  	s0 =	sor.u32 s3, s0;
	s1 =	sshll.u32 s1, $0x11  }
0xbd: {  	s0 =	sor.u32 s1, s0  }
0xbe: {  	s0 =	sadd.s32 $0x8F2B, s0  }
0xbf: {  	[sflag:s0] =	ssyncadd.remote.s32 $0x1  }
0xc0: {  	_ =	sfence.sel $0xFFFF  }
0xc1: {  	[dreg:$0x0] =	wrdreg $0xFFFFFFFF;
	(pc) =	sbr.abs _section_cstart, $3  }
0xc2: {  	[dreg:$0x1] =	wrdreg $0xFFFFFFFF  }
0xc3: {  	_ =	task.clear_ibuf [dreg:s8], $0x2FFFF;
	_ =	strace $0x9FFFFFFF  }
0xc4: {  	(tm) =	ssettm $0x7FFFFFFF  }
0xc5: {  	_ =	shalt  }
tec
execute0_lowered:
.L_overlay_start_1:
0x0: {  	(tag) =	ssettag $0x1  }
0x1: {  	s17 =	rddreg [dreg:$0x0];
	s1 =	srdreg.scid  }
0x2: {  	s3 =	rddreg [dreg:$0x1];
	s0 =	stileid.u32;
	s21 =	sand.u32 $0x1, s1  }
0x3: {  	s5 =	rddreg [dreg:$0x2];
	s4 =	sshll.u32 s0, $0xA;
	s6 =	sshll.u32 s21, $0x9  }
0x4: {  	s2 =	simm.s32 $0x0;
	s1 =	rddreg [dreg:$0x3];
	s16 =	sor.u32 s6, s4  }
0x5: {  	[smem:$0x7FF] =	sst s2;
	s6 =	sshrl.u32 s16, $0x3  }
0x6: {  	_ =	strace $0x80000047;
	s4 =	sadd.s32 s3, s6;
	s3 =	simm.s32 $0x2  }
0x7: {  	[tilespmem:s2], [sflag:$0x2] =	stream.linear.gather [hbm4b:s4+s2], $0x200, $0x38;
	[tilespmem:$0x10400] =	vst v63  }
0x8: {  	_ =	swait.ge [sflag:s3], $0x200  }
0x9: {  	[sflag:s3] =	ssyncset.done $0x0  }
0xa: {  	s5 =	sadd.s32 s5, s6;
	s6 =	simm.s32 $0x200;
	[sflag:s3] =	ssyncadd.s32 $0xFFFFFE00  }
0xb: {  	[tilespmem:s6], [sflag:$0x2] =	stream.linear.gather [hbm4b:s5+s2], $0x200, $0x38;
	[tilespmem:$0x10400] =	vst v63  }
0xc: {  	_ =	swait.ge [sflag:s3], $0x200  }
0xd: {  	s8 =	simm.s32 $0x80;
	[sflag:s3] =	ssyncset.done $0x0  }
0xe: {  	s9 =	simm.s32 $0x400;
	s7 =	sadd.s32 $0x1600, s17;
	[sflag:s3] =	ssyncadd.s32 $0xFFFFFE00  }
0xf: {  	[tilespmem:s9], [sflag:$0x1] =	stream.indirect.gather [hbm4b:s7+s8], $0x80, s2, s8, $0xb8;
	[tilespmem:$0x10400] =	vst v63  }
0x10: {  	s10 =	simm.s32 $0x4400  }
0x11: {  	[tilespmem:s10], [sflag:$0x1] =	stream.indirect.gather [hbm4b:s7+s8], $0x80, s8, s8, $0xb8;
	[tilespmem:$0x10400] =	vst v63  }
0x12: {  	s11 =	simm.s32 $0x100;
	s12 =	simm.s32 $0x8400  }
0x13: {  	[tilespmem:s12], [sflag:$0x1] =	stream.indirect.gather [hbm4b:s7+s8], $0x80, s11, s8, $0xb8;
	[tilespmem:$0x10400] =	vst v63  }
0x14: {  	s13 =	simm.s32 $0x180;
	s14 =	simm.s32 $0xC400;
	s15 =	simm.s32 $0x1  }
0x15: {  	[tilespmem:s14], [sflag:$0x1] =	stream.indirect.gather [hbm4b:s7+s8], $0x80, s13, s8, $0xb8;
	[tilespmem:$0x10400] =	vst v63  }
0x16: {  	_ =	swait.ge [sflag:s15], $0x4000  }
0x17: {  	[sflag:s15] =	ssyncset.done $0x0  }
0x18: {  	[sflag:s15] =	ssyncadd.s32 $0xFFFFC000  }
0x19: {  	_ =	swait.ge [sflag:s15], $0x4000  }
0x1a: {  	[sflag:s15] =	ssyncset.done $0x0  }
0x1b: {  	[sflag:s15] =	ssyncadd.s32 $0xFFFFC000  }
0x1c: {  	_ =	swait.ge [sflag:s15], $0x4000  }
0x1d: {  	[sflag:s15] =	ssyncset.done $0x0  }
0x1e: {  	[sflag:s15] =	ssyncadd.s32 $0xFFFFC000  }
0x1f: {  	s16 =	sshll.u32 s16, $0x4;
	_ =	swait.ge [sflag:s15], $0x4000  }
0x20: {  	s22 =	sadd.s32 s16, s17;
	[sflag:s15] =	ssyncset.done $0x0  }
0x21: {  	s16 =	sadd.s32 $0x1E89600, s22;
	[sflag:s15] =	ssyncadd.s32 $0xFFFFC000  }
0x22: {  	[hbm4b:s16+s2] =	stream.linear.scatter [tilespmem:s9], [sflag:$0x2], $0x10000, $0x38;
	[tilespmem:$0x10400] =	vst v63  }
0x23: {  	_ =	swait.ge [sflag:s3], $0x10000  }
0x24: {  	[sflag:s3] =	ssyncset.done $0x0  }
0x25: {  	s17 =	sadd.s32 $0xF45600, s17;
	[sflag:s3] =	ssyncadd.s32 $0xFFFF0000  }
0x26: {  	[tilespmem:s9], [sflag:$0x1] =	stream.indirect.gather [hbm4b:s17+s8], $0x80, s6, s8, $0xb8;
	[tilespmem:$0x10400] =	vst v63  }
0x27: {  	s18 =	simm.s32 $0x280  }
0x28: {  	[tilespmem:s10], [sflag:$0x1] =	stream.indirect.gather [hbm4b:s17+s8], $0x80, s18, s8, $0xb8;
	[tilespmem:$0x10400] =	vst v63  }
0x29: {  	s19 =	simm.s32 $0x300  }
0x2a: {  	[tilespmem:s12], [sflag:$0x1] =	stream.indirect.gather [hbm4b:s17+s8], $0x80, s19, s8, $0xb8;
	[tilespmem:$0x10400] =	vst v63  }
0x2b: {  	s20 =	simm.s32 $0x380  }
0x2c: {  	[tilespmem:s14], [sflag:$0x1] =	stream.indirect.gather [hbm4b:s17+s8], $0x80, s20, s8, $0xb8;
	[tilespmem:$0x10400] =	vst v63  }
0x2d: {  	_ =	swait.ge [sflag:s15], $0x4000  }
0x2e: {  	[sflag:s15] =	ssyncset.done $0x0  }
0x2f: {  	[sflag:s15] =	ssyncadd.s32 $0xFFFFC000  }
0x30: {  	_ =	swait.ge [sflag:s15], $0x4000  }
0x31: {  	[sflag:s15] =	ssyncset.done $0x0  }
0x32: {  	s21 =	ssub.s32 $0x2, s21;
	[sflag:s15] =	ssyncadd.s32 $0xFFFFC000  }
0x33: {  	s23 =	sshrl.u32 s21, $0x1;
	_ =	swait.ge [sflag:s15], $0x4000  }
0x34: {  	s23 =	ssub.s32 s21, s23;
	[sflag:s15] =	ssyncset.done $0x0  }
0x35: {  	s31 =	smax.u32 s23, $0x1;
	[sflag:s15] =	ssyncadd.s32 $0xFFFFC000  }
0x36: {  	p0 =	sne.s32 s31, $0x1;
	_ =	swait.ge [sflag:s15], $0x4000  }
.Ltmp0:
0x37: {  	[sflag:s15] =	ssyncset.done $0x0;
	(pc) =	sbr.rel @!p0 .LBB2_2-.Ltmp0, $4  }
0x38: {  	s21 =	sadd.s32 $0x1EC9600, s22;
	[sflag:s15] =	ssyncadd.s32 $0xFFFFC000  }
0x39: {  	[hbm4b:s21+s2] =	stream.linear.scatter [tilespmem:s9], [sflag:$0x2], $0x10000, $0x38;
	[tilespmem:$0x10400] =	vst v63  }
0x3a: {  	_ =	swait.ge [sflag:s3], $0x10000  }
0x3b: {  	s22 =	sadd.s32 $0xFFFFFFFF, s31;
	[sflag:s3] =	ssyncset.done $0x0  }
.LBB2_1:
0x3c: {  	p0 =	sne.s32 s22, $0x1;
	s22 =	sadd.s32 $0xFFFFFFFF, s22;
	[sflag:s3] =	ssyncadd.s32 $0xFFFF0000  }
0x3d: {  	[tilespmem:s2], [sflag:$0x2] =	stream.linear.gather [hbm4b:s4+s2], $0x200, $0x38;
	[tilespmem:$0x10400] =	vst v63  }
0x3e: {  	_ =	swait.ge [sflag:s3], $0x200  }
0x3f: {  	[sflag:s3] =	ssyncset.done $0x0  }
0x40: {  	[sflag:s3] =	ssyncadd.s32 $0xFFFFFE00  }
0x41: {  	[tilespmem:s6], [sflag:$0x2] =	stream.linear.gather [hbm4b:s5+s2], $0x200, $0x38;
	[tilespmem:$0x10400] =	vst v63  }
0x42: {  	_ =	swait.ge [sflag:s3], $0x200  }
0x43: {  	[sflag:s3] =	ssyncset.done $0x0  }
0x44: {  	[sflag:s3] =	ssyncadd.s32 $0xFFFFFE00  }
0x45: {  	[tilespmem:s9], [sflag:$0x1] =	stream.indirect.gather [hbm4b:s7+s8], $0x80, s2, s8, $0xb8;
	[tilespmem:$0x10400] =	vst v63  }
0x46: {  	_ = 	snop  }
0x47: {  	[tilespmem:s10], [sflag:$0x1] =	stream.indirect.gather [hbm4b:s7+s8], $0x80, s8, s8, $0xb8;
	[tilespmem:$0x10400] =	vst v63  }
0x48: {  	_ = 	snop  }
0x49: {  	[tilespmem:s12], [sflag:$0x1] =	stream.indirect.gather [hbm4b:s7+s8], $0x80, s11, s8, $0xb8;
	[tilespmem:$0x10400] =	vst v63  }
0x4a: {  	_ = 	snop  }
0x4b: {  	[tilespmem:s14], [sflag:$0x1] =	stream.indirect.gather [hbm4b:s7+s8], $0x80, s13, s8, $0xb8;
	[tilespmem:$0x10400] =	vst v63  }
0x4c: {  	_ =	swait.ge [sflag:s15], $0x4000  }
0x4d: {  	[sflag:s15] =	ssyncset.done $0x0  }
0x4e: {  	[sflag:s15] =	ssyncadd.s32 $0xFFFFC000  }
0x4f: {  	_ =	swait.ge [sflag:s15], $0x4000  }
0x50: {  	[sflag:s15] =	ssyncset.done $0x0  }
0x51: {  	[sflag:s15] =	ssyncadd.s32 $0xFFFFC000  }
0x52: {  	_ =	swait.ge [sflag:s15], $0x4000  }
0x53: {  	[sflag:s15] =	ssyncset.done $0x0  }
0x54: {  	[sflag:s15] =	ssyncadd.s32 $0xFFFFC000  }
0x55: {  	_ =	swait.ge [sflag:s15], $0x4000  }
0x56: {  	[sflag:s15] =	ssyncset.done $0x0  }
0x57: {  	[sflag:s15] =	ssyncadd.s32 $0xFFFFC000  }
0x58: {  	[hbm4b:s16+s2] =	stream.linear.scatter [tilespmem:s9], [sflag:$0x2], $0x10000, $0x38;
	[tilespmem:$0x10400] =	vst v63  }
0x59: {  	_ =	swait.ge [sflag:s3], $0x10000  }
0x5a: {  	[sflag:s3] =	ssyncset.done $0x0  }
0x5b: {  	[sflag:s3] =	ssyncadd.s32 $0xFFFF0000  }
0x5c: {  	[tilespmem:s9], [sflag:$0x1] =	stream.indirect.gather [hbm4b:s17+s8], $0x80, s6, s8, $0xb8;
	[tilespmem:$0x10400] =	vst v63  }
0x5d: {  	_ = 	snop  }
0x5e: {  	[tilespmem:s10], [sflag:$0x1] =	stream.indirect.gather [hbm4b:s17+s8], $0x80, s18, s8, $0xb8;
	[tilespmem:$0x10400] =	vst v63  }
0x5f: {  	_ = 	snop  }
0x60: {  	[tilespmem:s12], [sflag:$0x1] =	stream.indirect.gather [hbm4b:s17+s8], $0x80, s19, s8, $0xb8;
	[tilespmem:$0x10400] =	vst v63  }
0x61: {  	_ = 	snop  }
0x62: {  	[tilespmem:s14], [sflag:$0x1] =	stream.indirect.gather [hbm4b:s17+s8], $0x80, s20, s8, $0xb8;
	[tilespmem:$0x10400] =	vst v63  }
0x63: {  	_ =	swait.ge [sflag:s15], $0x4000  }
0x64: {  	[sflag:s15] =	ssyncset.done $0x0  }
0x65: {  	[sflag:s15] =	ssyncadd.s32 $0xFFFFC000  }
0x66: {  	_ =	swait.ge [sflag:s15], $0x4000  }
0x67: {  	[sflag:s15] =	ssyncset.done $0x0  }
0x68: {  	[sflag:s15] =	ssyncadd.s32 $0xFFFFC000  }
0x69: {  	_ =	swait.ge [sflag:s15], $0x4000  }
0x6a: {  	[sflag:s15] =	ssyncset.done $0x0  }
0x6b: {  	[sflag:s15] =	ssyncadd.s32 $0xFFFFC000  }
0x6c: {  	_ =	swait.ge [sflag:s15], $0x4000  }
.Ltmp1:
0x6d: {  	[sflag:s15] =	ssyncset.done $0x0;
	(pc) =	sbr.rel @p0 .LBB2_1-.Ltmp1, $4  }
0x6e: {  	[sflag:s15] =	ssyncadd.s32 $0xFFFFC000  }
0x6f: {  	[hbm4b:s21+s2] =	stream.linear.scatter [tilespmem:s9], [sflag:$0x2], $0x10000, $0x38;
	[tilespmem:$0x10400] =	vst v63  }
0x70: {  	_ =	swait.ge [sflag:s3], $0x10000  }
0x71: {  	[sflag:s3] =	ssyncset.done $0x0  }
.LBB2_2:
0x72: {  	[sflag:s3] =	ssyncadd.s32 $0xFFFF0000  }
0x73: {  	_ =	sfence.sel $0x180000  }
0x74: {  	[bflag:$0x0] =	sbarrier.arrive $0xFFFF  }
0x75: {  	p0 =	sne.s32 s0, $0x0;
	_ =	strace $0x90000047  }
0x76: {  	s0 =	sadd.s32 @!p0 $0x100000, s1;
	[bflag:$0x2] =	sbarrier.arrive $0xFFFF  }
0x77: {  	[sflag:s0] =	ssyncadd.tile.s32 @!p0 $0x1;
	_ =	shalt  }
.Lfunc_end2:
_tile_overlayer_lowered:
.L_overlay_start_2:
0x78: {  	(tag) =	ssettag $0x2  }
0x79: {  	s0 =	rddreg [dreg:$0x0];
	s2 =	stileid.u32  }
0x7a: {  	s1 =	rddreg [dreg:$0x1];
	p0 =	sne.s32 s2, $0x0  }
0x7b: {  	s3 =	rddreg [dreg:$0x2];
	[bflag:$0x3] =	sbarrier.arrive $0xFFFF;
	s2 =	simm.s32 @!p0 $0x1C02  }
0x7c: {  	[timem:s3], [sflag:s2] =	dma.local @!p0 [hbm:s0], s1  }
0x7d: {  	s0 =	simm.s32 @!p0 $0x2  }
0x7e: {  	_ =	swait.ge @!p0 [sflag:s0], s1  }
0x7f: {  	s1 =	ssub.s32 @!p0 $0x0, s1;
	[sflag:s0] =	ssyncset.done @!p0 $0x0  }
0x80: {  	[sflag:s0] =	ssyncadd.s32 @!p0 s1  }
0x81: {  	[bflag:$0x3] =	sbarrier.arrive $0xFFFF  }
0x82: {  	_ =	shalt  }

</sc_bundles>
